<compile_context>
chip_gen: v7x
topology: tpu7x:2x2x1
jax: 0.10.2.dev20260603
libtpu: 0.0.44.dev20260713+nightly
codegen_flags: <defaults>
</compile_context>

<pallas_src>
import functools

import jax
import jax.numpy as jnp
from jax import lax
from jax.experimental import pallas as pl
from jax.experimental.pallas import tpu as pltpu
from jax.experimental.pallas import tpu_sc as plsc

N = 32768
D_IN = 3
D_OUT = 5

NUM_CORES = 2
NUM_SUBCORES = 16
LANES = 16
NUM_WORKERS = NUM_CORES * NUM_SUBCORES
ROWS_PER_WORKER = N // NUM_WORKERS
GROUPS = ROWS_PER_WORKER // LANES
XW = ROWS_PER_WORKER * D_IN
OW = ROWS_PER_WORKER * D_OUT
NWB = D_OUT * D_IN + D_OUT


def _body(s2_hbm, wb_hbm, out_hbm, x_v, o_v, wb_v):
    wid = lax.axis_index("s") * NUM_CORES + lax.axis_index("c")

    pltpu.sync_copy(s2_hbm.at[pl.ds(wid * XW, XW)], x_v)
    pltpu.sync_copy(wb_hbm, wb_v)

    w = [
        [wb_v[pl.ds((j * D_IN + c) * LANES, LANES)] for c in range(D_IN)]
        for j in range(D_OUT)
    ]
    b = [wb_v[pl.ds((D_OUT * D_IN + j) * LANES, LANES)] for j in range(D_OUT)]

    lane_iota = lax.iota(jnp.int32, LANES)
    in_iota = [lane_iota * D_IN + c for c in range(D_IN)]
    out_iota = [lane_iota * D_OUT + j for j in range(D_OUT)]

    def group(g, carry):
        xbase = g * (LANES * D_IN)
        obase = g * (LANES * D_OUT)
        x0 = plsc.load_gather(x_v, [xbase + in_iota[0]])
        x1 = plsc.load_gather(x_v, [xbase + in_iota[1]])
        x2 = plsc.load_gather(x_v, [xbase + in_iota[2]])
        m = (x0 == 1.0) & (x1 == 0.0)
        for j in range(D_OUT):
            r = b[j] + x0 * w[j][0] + x1 * w[j][1] + x2 * w[j][2]
            r = jnp.where(m, r, 0.0)
            plsc.store_scatter(o_v, [obase + out_iota[j]], r)
        return carry

    lax.fori_loop(0, GROUPS, group, 0, unroll=4)

    pltpu.sync_copy(o_v, out_hbm.at[pl.ds(wid * OW, OW)])


def kernel(s2, W10, b10):
    wb = jnp.concatenate([W10.reshape(-1), b10])
    wb = jnp.broadcast_to(wb[:, None], (NWB, LANES)).reshape(-1)
    s2_flat = s2.reshape(-1)

    mesh = plsc.VectorSubcoreMesh(
        core_axis_name="c",
        subcore_axis_name="s",
        num_cores=NUM_CORES,
        num_subcores=NUM_SUBCORES,
    )
    run = pl.kernel(
        _body,
        out_type=jax.ShapeDtypeStruct((N * D_OUT,), jnp.float32),
        mesh=mesh,
        compiler_params=pltpu.CompilerParams(needs_layout_passes=False),
        scratch_types=[
            pltpu.VMEM((XW,), jnp.float32),
            pltpu.VMEM((OW,), jnp.float32),
            pltpu.VMEM((NWB * LANES,), jnp.float32),
        ],
    )
    return run(s2_flat, wb).reshape(N, D_OUT)

# --- scband reference (transcript-rebuilt; emitter-appended) ---
"""Pipeline reference for scband-my-model-35330400977567 (READ-ONLY COPY).

The authoritative reference and input builder live on the scoring server;
editing this copy changes nothing except your own understanding.
"""

import jax, jax.numpy as jnp
import numpy as np

N = 32768
D_IN = 3
D_OUT = 5

def setup_inputs(seed: int = 0) -> dict:
    key = jax.random.key(seed)
    k1, k2, k3 = jax.random.split(key, 3)
    # s2: rows of {0,1}-valued floats; first two columns act as one-hot-ish routing flags
    s2 = jax.random.randint(k1, (N, D_IN), 0, 2).astype(jnp.float32)
    # Linear(3, 5) params for embedding_for_10 (the only branch actually used in eb)
    bound = 1.0 / np.sqrt(D_IN)
    W10 = jax.random.uniform(k2, (D_OUT, D_IN), minval=-bound, maxval=bound, dtype=jnp.float32)
    b10 = jax.random.uniform(k3, (D_OUT,), minval=-bound, maxval=bound, dtype=jnp.float32)
    return {"s2": s2, "W10": W10, "b10": b10}

def reference(s2, W10, b10):
    # Faithful translation of MyModel.eb:
    #   start_10 mask -> rows whose first two entries are [1, 0] -> Linear(3,5)
    #   start_01 mask -> rows whose first two entries are [0, 1] -> zeros (explicit overwrite)
    #   all other rows remain zeros (initial torch.zeros buffer)
    start_10 = (s2[:, 0] == 1.0) & (s2[:, 1] == 0.0)
    start_01 = (s2[:, 0] == 0.0) & (s2[:, 1] == 1.0)
    emb = s2 @ W10.T + b10  # embedding_for_10 applied to all rows, selected by mask
    out = jnp.zeros((s2.shape[0], D_OUT), dtype=jnp.float32)
    out = jnp.where(start_10[:, None], emb, out)
    out = jnp.where(start_01[:, None], jnp.zeros((D_OUT,), dtype=jnp.float32), out)
    return out

if False:  # reference __main__ guard neutralized (emitter)
    inp = setup_inputs()
    o = reference(**inp)
    print(o.shape, o.dtype)

if __name__ == "__main__":
    import jax
    _d = setup_inputs()
    print(jax.jit(kernel)(*tuple(_d.values())))

</pallas_src>

<mosaic_0001>
#map = affine_map<(d0, d1) -> (0)>
module attributes {stable_mosaic.version = 14 : i64} {
  func.func @_body(%arg0: i32, %arg1: i32, %arg2: memref<98304xf32, #tpu.memory_space<hbm>>, %arg3: memref<320xf32, #tpu.memory_space<hbm>>, %arg4: memref<163840xf32, #tpu.memory_space<hbm>>, %arg5: memref<3072xf32, #tpu.memory_space<vmem>>, %arg6: memref<5120xf32, #tpu.memory_space<vmem>>, %arg7: memref<320xf32, #tpu.memory_space<vmem>>) attributes {dimension_semantics = [#tpu.dimension_semantics<core_parallel>, #tpu.dimension_semantics<subcore_parallel>], iteration_bounds = array<i64: 2, 16>, scalar_prefetch = 0 : i64, scratch_operands = 3 : i64, tpu.core_type = #tpu.core_type<sc_vector_subcore>, window_params = [{transform_indices = #map}, {transform_indices = #map}, {transform_indices = #map}]} {
    %mul3A = arith.constant 2 : i32
    %mul3A_0 = arith.muli %arg1, %mul3A : i32
    %add3A = arith.addi %mul3A_0, %arg0 : i32
    %mul3A_1 = arith.constant 3072 : i32
    %mul3A_2 = arith.muli %add3A, %mul3A_1 : i32
    "tpu.region"() ({
      %run_scoped3A = tpu.sem_alloc : memref<!tpu.dma_semaphore, #tpu.memory_space<semaphore_mem>>
      %dma_start3A = tpu.memref_slice %arg2[%mul3A_2] : memref<98304xf32, #tpu.memory_space<hbm>> -> memref<3072xf32, #tpu.memory_space<hbm>>
      %dma_start3A_97 = tpu.memref_slice %arg2[%mul3A_2] : memref<98304xf32, #tpu.memory_space<hbm>> -> memref<3072xf32, #tpu.memory_space<hbm>>
      tpu.enqueue_dma source(%dma_start3A_97 : memref<3072xf32, #tpu.memory_space<hbm>>) target(%arg5 : memref<3072xf32, #tpu.memory_space<vmem>>) target_semaphore(%run_scoped3A : memref<!tpu.dma_semaphore, #tpu.memory_space<semaphore_mem>>)
      %dma_wait3A = tpu.memref_slice %arg2[%mul3A_2] : memref<98304xf32, #tpu.memory_space<hbm>> -> memref<3072xf32, #tpu.memory_space<hbm>>
      %dma_wait3A_98 = tpu.memref_slice %arg2[%mul3A_2] : memref<98304xf32, #tpu.memory_space<hbm>> -> memref<3072xf32, #tpu.memory_space<hbm>>
      tpu.wait_dma2 semaphore(%run_scoped3A : memref<!tpu.dma_semaphore, #tpu.memory_space<semaphore_mem>>) src(%dma_wait3A_98 : memref<3072xf32, #tpu.memory_space<hbm>>) dst(%arg5 : memref<3072xf32, #tpu.memory_space<vmem>>)
      tpu.yield
    }) : () -> ()
    "tpu.region"() ({
      %run_scoped3A = tpu.sem_alloc : memref<!tpu.dma_semaphore, #tpu.memory_space<semaphore_mem>>
      tpu.enqueue_dma source(%arg3 : memref<320xf32, #tpu.memory_space<hbm>>) target(%arg7 : memref<320xf32, #tpu.memory_space<vmem>>) target_semaphore(%run_scoped3A : memref<!tpu.dma_semaphore, #tpu.memory_space<semaphore_mem>>)
      tpu.wait_dma2 semaphore(%run_scoped3A : memref<!tpu.dma_semaphore, #tpu.memory_space<semaphore_mem>>) src(%arg3 : memref<320xf32, #tpu.memory_space<hbm>>) dst(%arg7 : memref<320xf32, #tpu.memory_space<vmem>>)
      tpu.yield
    }) : () -> ()
    %get3A = arith.constant 0 : index
    %get3A_3 = tpu.vector_load %arg7[%get3A] {strides = array<i32>} : memref<320xf32, #tpu.memory_space<vmem>>, vector<16xf32>,
    %get3A_4 = arith.constant 16 : index
    %get3A_5 = tpu.vector_load %arg7[%get3A_4] {strides = array<i32>} : memref<320xf32, #tpu.memory_space<vmem>>, vector<16xf32>,
    %get3A_6 = arith.constant 32 : index
    %get3A_7 = tpu.vector_load %arg7[%get3A_6] {strides = array<i32>} : memref<320xf32, #tpu.memory_space<vmem>>, vector<16xf32>,
    %get3A_8 = arith.constant 48 : index
    %get3A_9 = tpu.vector_load %arg7[%get3A_8] {strides = array<i32>} : memref<320xf32, #tpu.memory_space<vmem>>, vector<16xf32>,
    %get3A_10 = arith.constant 64 : index
    %get3A_11 = tpu.vector_load %arg7[%get3A_10] {strides = array<i32>} : memref<320xf32, #tpu.memory_space<vmem>>, vector<16xf32>,
    %get3A_12 = arith.constant 80 : index
    %get3A_13 = tpu.vector_load %arg7[%get3A_12] {strides = array<i32>} : memref<320xf32, #tpu.memory_space<vmem>>, vector<16xf32>,
    %get3A_14 = arith.constant 96 : index
    %get3A_15 = tpu.vector_load %arg7[%get3A_14] {strides = array<i32>} : memref<320xf32, #tpu.memory_space<vmem>>, vector<16xf32>,
    %get3A_16 = arith.constant 112 : index
    %get3A_17 = tpu.vector_load %arg7[%get3A_16] {strides = array<i32>} : memref<320xf32, #tpu.memory_space<vmem>>, vector<16xf32>,
    %get3A_18 = arith.constant 128 : index
    %get3A_19 = tpu.vector_load %arg7[%get3A_18] {strides = array<i32>} : memref<320xf32, #tpu.memory_space<vmem>>, vector<16xf32>,
    %get3A_20 = arith.constant 144 : index
    %get3A_21 = tpu.vector_load %arg7[%get3A_20] {strides = array<i32>} : memref<320xf32, #tpu.memory_space<vmem>>, vector<16xf32>,
    %get3A_22 = arith.constant 160 : index
    %get3A_23 = tpu.vector_load %arg7[%get3A_22] {strides = array<i32>} : memref<320xf32, #tpu.memory_space<vmem>>, vector<16xf32>,
    %get3A_24 = arith.constant 176 : index
    %get3A_25 = tpu.vector_load %arg7[%get3A_24] {strides = array<i32>} : memref<320xf32, #tpu.memory_space<vmem>>, vector<16xf32>,
    %get3A_26 = arith.constant 192 : index
    %get3A_27 = tpu.vector_load %arg7[%get3A_26] {strides = array<i32>} : memref<320xf32, #tpu.memory_space<vmem>>, vector<16xf32>,
    %get3A_28 = arith.constant 208 : index
    %get3A_29 = tpu.vector_load %arg7[%get3A_28] {strides = array<i32>} : memref<320xf32, #tpu.memory_space<vmem>>, vector<16xf32>,
    %get3A_30 = arith.constant 224 : index
    %get3A_31 = tpu.vector_load %arg7[%get3A_30] {strides = array<i32>} : memref<320xf32, #tpu.memory_space<vmem>>, vector<16xf32>,
    %get3A_32 = arith.constant 240 : index
    %get3A_33 = tpu.vector_load %arg7[%get3A_32] {strides = array<i32>} : memref<320xf32, #tpu.memory_space<vmem>>, vector<16xf32>,
    %get3A_34 = arith.constant 256 : index
    %get3A_35 = tpu.vector_load %arg7[%get3A_34] {strides = array<i32>} : memref<320xf32, #tpu.memory_space<vmem>>, vector<16xf32>,
    %get3A_36 = arith.constant 272 : index
    %get3A_37 = tpu.vector_load %arg7[%get3A_36] {strides = array<i32>} : memref<320xf32, #tpu.memory_space<vmem>>, vector<16xf32>,
    %get3A_38 = arith.constant 288 : index
    %get3A_39 = tpu.vector_load %arg7[%get3A_38] {strides = array<i32>} : memref<320xf32, #tpu.memory_space<vmem>>, vector<16xf32>,
    %get3A_40 = arith.constant 304 : index
    %get3A_41 = tpu.vector_load %arg7[%get3A_40] {strides = array<i32>} : memref<320xf32, #tpu.memory_space<vmem>>, vector<16xf32>,
    %iota3A = tpu.iota {dimensions = array<i32: 0>} : vector<16xi32>
    %mul3A_42 = arith.constant 3 : i32
    %mul3A_43 = vector.broadcast %mul3A_42 : i32 to vector<16xi32>
    %mul3A_44 = arith.muli %iota3A, %mul3A_43 : vector<16xi32>
    %add3A_45 = arith.constant 0 : i32
    %add3A_46 = vector.broadcast %add3A_45 : i32 to vector<16xi32>
    %add3A_47 = arith.addi %mul3A_44, %add3A_46 : vector<16xi32>
    %mul3A_48 = arith.constant 3 : i32
    %mul3A_49 = vector.broadcast %mul3A_48 : i32 to vector<16xi32>
    %mul3A_50 = arith.muli %iota3A, %mul3A_49 : vector<16xi32>
    %add3A_51 = arith.constant 1 : i32
    %add3A_52 = vector.broadcast %add3A_51 : i32 to vector<16xi32>
    %add3A_53 = arith.addi %mul3A_50, %add3A_52 : vector<16xi32>
    %mul3A_54 = arith.constant 3 : i32
    %mul3A_55 = vector.broadcast %mul3A_54 : i32 to vector<16xi32>
    %mul3A_56 = arith.muli %iota3A, %mul3A_55 : vector<16xi32>
    %add3A_57 = arith.constant 2 : i32
    %add3A_58 = vector.broadcast %add3A_57 : i32 to vector<16xi32>
    %add3A_59 = arith.addi %mul3A_56, %add3A_58 : vector<16xi32>
    %mul3A_60 = arith.constant 5 : i32
    %mul3A_61 = vector.broadcast %mul3A_60 : i32 to vector<16xi32>
    %mul3A_62 = arith.muli %iota3A, %mul3A_61 : vector<16xi32>
    %add3A_63 = arith.constant 0 : i32
    %add3A_64 = vector.broadcast %add3A_63 : i32 to vector<16xi32>
    %add3A_65 = arith.addi %mul3A_62, %add3A_64 : vector<16xi32>
    %mul3A_66 = arith.constant 5 : i32
    %mul3A_67 = vector.broadcast %mul3A_66 : i32 to vector<16xi32>
    %mul3A_68 = arith.muli %iota3A, %mul3A_67 : vector<16xi32>
    %add3A_69 = arith.constant 1 : i32
    %add3A_70 = vector.broadcast %add3A_69 : i32 to vector<16xi32>
    %add3A_71 = arith.addi %mul3A_68, %add3A_70 : vector<16xi32>
    %mul3A_72 = arith.constant 5 : i32
    %mul3A_73 = vector.broadcast %mul3A_72 : i32 to vector<16xi32>
    %mul3A_74 = arith.muli %iota3A, %mul3A_73 : vector<16xi32>
    %add3A_75 = arith.constant 2 : i32
    %add3A_76 = vector.broadcast %add3A_75 : i32 to vector<16xi32>
    %add3A_77 = arith.addi %mul3A_74, %add3A_76 : vector<16xi32>
    %mul3A_78 = arith.constant 5 : i32
    %mul3A_79 = vector.broadcast %mul3A_78 : i32 to vector<16xi32>
    %mul3A_80 = arith.muli %iota3A, %mul3A_79 : vector<16xi32>
    %add3A_81 = arith.constant 3 : i32
    %add3A_82 = vector.broadcast %add3A_81 : i32 to vector<16xi32>
    %add3A_83 = arith.addi %mul3A_80, %add3A_82 : vector<16xi32>
    %mul3A_84 = arith.constant 5 : i32
    %mul3A_85 = vector.broadcast %mul3A_84 : i32 to vector<16xi32>
    %mul3A_86 = arith.muli %iota3A, %mul3A_85 : vector<16xi32>
    %add3A_87 = arith.constant 4 : i32
    %add3A_88 = vector.broadcast %add3A_87 : i32 to vector<16xi32>
    %add3A_89 = arith.addi %mul3A_86, %add3A_88 : vector<16xi32>
    %scan3A = arith.constant 0 : i32
    %scan3A_90 = arith.constant 0 : i32
    %scan3A_91 = arith.constant 64 : i32
    %scan3A_92 = arith.addi %scan3A_90, %scan3A_91 : i32
    %scan3A_93 = arith.constant 4 : i32
    scf.for %scan3A_97 = %scan3A_90 to %scan3A_92 step %scan3A_93  : i32 {
      %mul3A_98 = arith.constant 48 : i32
      %mul3A_99 = arith.muli %scan3A_97, %mul3A_98 : i32
      %mul3A_100 = arith.constant 80 : i32
      %mul3A_101 = arith.muli %scan3A_97, %mul3A_100 : i32
      %add3A_102 = vector.broadcast %mul3A_99 : i32 to vector<16xi32>
      %add3A_103 = arith.addi %add3A_102, %add3A_47 : vector<16xi32>
      %gather3A = tpu.vector_load_idx %arg5[%add3A_103] : memref<3072xf32, #tpu.memory_space<vmem>>[vector<16xi32>], vector<16xf32>,
      %add3A_104 = vector.broadcast %mul3A_99 : i32 to vector<16xi32>
      %add3A_105 = arith.addi %add3A_104, %add3A_53 : vector<16xi32>
      %gather3A_106 = tpu.vector_load_idx %arg5[%add3A_105] : memref<3072xf32, #tpu.memory_space<vmem>>[vector<16xi32>], vector<16xf32>,
      %add3A_107 = vector.broadcast %mul3A_99 : i32 to vector<16xi32>
      %add3A_108 = arith.addi %add3A_107, %add3A_59 : vector<16xi32>
      %gather3A_109 = tpu.vector_load_idx %arg5[%add3A_108] : memref<3072xf32, #tpu.memory_space<vmem>>[vector<16xi32>], vector<16xf32>,
      %eq3A = arith.constant 1.000000e+00 : f32
      %eq3A_110 = vector.broadcast %eq3A : f32 to vector<16xf32>
      %eq3A_111 = arith.cmpf oeq, %gather3A, %eq3A_110 : vector<16xf32>
      %eq3A_112 = arith.constant 0.000000e+00 : f32
      %eq3A_113 = vector.broadcast %eq3A_112 : f32 to vector<16xf32>
      %eq3A_114 = arith.cmpf oeq, %gather3A_106, %eq3A_113 : vector<16xf32>
      %and3A = arith.andi %eq3A_111, %eq3A_114 : vector<16xi1>
      %mul3A_115 = arith.mulf %gather3A, %get3A_3 : vector<16xf32>
      %add3A_116 = arith.addf %get3A_33, %mul3A_115 : vector<16xf32>
      %mul3A_117 = arith.mulf %gather3A_106, %get3A_5 : vector<16xf32>
      %add3A_118 = arith.addf %add3A_116, %mul3A_117 : vector<16xf32>
      %mul3A_119 = arith.mulf %gather3A_109, %get3A_7 : vector<16xf32>
      %add3A_120 = arith.addf %add3A_118, %mul3A_119 : vector<16xf32>
      %jit3A = arith.constant 0.000000e+00 : f32
      %broadcast_in_dim3A = vector.broadcast %jit3A : f32 to vector<16xf32>
      %select_n3A = arith.select %and3A, %add3A_120, %broadcast_in_dim3A : vector<16xi1>, vector<16xf32>
      %add3A_121 = vector.broadcast %mul3A_101 : i32 to vector<16xi32>
      %add3A_122 = arith.addi %add3A_121, %add3A_65 : vector<16xi32>
      tpu.vector_store_idx %arg6[%add3A_122], %select_n3A : memref<5120xf32, #tpu.memory_space<vmem>>[vector<16xi32>], vector<16xf32>,
      %mul3A_123 = arith.mulf %gather3A, %get3A_9 : vector<16xf32>
      %add3A_124 = arith.addf %get3A_35, %mul3A_123 : vector<16xf32>
      %mul3A_125 = arith.mulf %gather3A_106, %get3A_11 : vector<16xf32>
      %add3A_126 = arith.addf %add3A_124, %mul3A_125 : vector<16xf32>
      %mul3A_127 = arith.mulf %gather3A_109, %get3A_13 : vector<16xf32>
      %add3A_128 = arith.addf %add3A_126, %mul3A_127 : vector<16xf32>
      %jit3A_129 = arith.constant 0.000000e+00 : f32
      %broadcast_in_dim3A_130 = vector.broadcast %jit3A_129 : f32 to vector<16xf32>
      %select_n3A_131 = arith.select %and3A, %add3A_128, %broadcast_in_dim3A_130 : vector<16xi1>, vector<16xf32>
      %add3A_132 = vector.broadcast %mul3A_101 : i32 to vector<16xi32>
      %add3A_133 = arith.addi %add3A_132, %add3A_71 : vector<16xi32>
      tpu.vector_store_idx %arg6[%add3A_133], %select_n3A_131 : memref<5120xf32, #tpu.memory_space<vmem>>[vector<16xi32>], vector<16xf32>,
      %mul3A_134 = arith.mulf %gather3A, %get3A_15 : vector<16xf32>
      %add3A_135 = arith.addf %get3A_37, %mul3A_134 : vector<16xf32>
      %mul3A_136 = arith.mulf %gather3A_106, %get3A_17 : vector<16xf32>
      %add3A_137 = arith.addf %add3A_135, %mul3A_136 : vector<16xf32>
      %mul3A_138 = arith.mulf %gather3A_109, %get3A_19 : vector<16xf32>
      %add3A_139 = arith.addf %add3A_137, %mul3A_138 : vector<16xf32>
      %jit3A_140 = arith.constant 0.000000e+00 : f32
      %broadcast_in_dim3A_141 = vector.broadcast %jit3A_140 : f32 to vector<16xf32>
      %select_n3A_142 = arith.select %and3A, %add3A_139, %broadcast_in_dim3A_141 : vector<16xi1>, vector<16xf32>
      %add3A_143 = vector.broadcast %mul3A_101 : i32 to vector<16xi32>
      %add3A_144 = arith.addi %add3A_143, %add3A_77 : vector<16xi32>
      tpu.vector_store_idx %arg6[%add3A_144], %select_n3A_142 : memref<5120xf32, #tpu.memory_space<vmem>>[vector<16xi32>], vector<16xf32>,
      %mul3A_145 = arith.mulf %gather3A, %get3A_21 : vector<16xf32>
      %add3A_146 = arith.addf %get3A_39, %mul3A_145 : vector<16xf32>
      %mul3A_147 = arith.mulf %gather3A_106, %get3A_23 : vector<16xf32>
      %add3A_148 = arith.addf %add3A_146, %mul3A_147 : vector<16xf32>
      %mul3A_149 = arith.mulf %gather3A_109, %get3A_25 : vector<16xf32>
      %add3A_150 = arith.addf %add3A_148, %mul3A_149 : vector<16xf32>
      %jit3A_151 = arith.constant 0.000000e+00 : f32
      %broadcast_in_dim3A_152 = vector.broadcast %jit3A_151 : f32 to vector<16xf32>
      %select_n3A_153 = arith.select %and3A, %add3A_150, %broadcast_in_dim3A_152 : vector<16xi1>, vector<16xf32>
      %add3A_154 = vector.broadcast %mul3A_101 : i32 to vector<16xi32>
      %add3A_155 = arith.addi %add3A_154, %add3A_83 : vector<16xi32>
      tpu.vector_store_idx %arg6[%add3A_155], %select_n3A_153 : memref<5120xf32, #tpu.memory_space<vmem>>[vector<16xi32>], vector<16xf32>,
      %mul3A_156 = arith.mulf %gather3A, %get3A_27 : vector<16xf32>
      %add3A_157 = arith.addf %get3A_41, %mul3A_156 : vector<16xf32>
      %mul3A_158 = arith.mulf %gather3A_106, %get3A_29 : vector<16xf32>
      %add3A_159 = arith.addf %add3A_157, %mul3A_158 : vector<16xf32>
      %mul3A_160 = arith.mulf %gather3A_109, %get3A_31 : vector<16xf32>
      %add3A_161 = arith.addf %add3A_159, %mul3A_160 : vector<16xf32>
      %jit3A_162 = arith.constant 0.000000e+00 : f32
      %broadcast_in_dim3A_163 = vector.broadcast %jit3A_162 : f32 to vector<16xf32>
      %select_n3A_164 = arith.select %and3A, %add3A_161, %broadcast_in_dim3A_163 : vector<16xi1>, vector<16xf32>
      %add3A_165 = vector.broadcast %mul3A_101 : i32 to vector<16xi32>
      %add3A_166 = arith.addi %add3A_165, %add3A_89 : vector<16xi32>
      tpu.vector_store_idx %arg6[%add3A_166], %select_n3A_164 : memref<5120xf32, #tpu.memory_space<vmem>>[vector<16xi32>], vector<16xf32>,
      %scan3A_167 = arith.constant 1 : i32
      %scan3A_168 = arith.addi %scan3A_97, %scan3A_167 : i32
      %mul3A_169 = arith.constant 48 : i32
      %mul3A_170 = arith.muli %scan3A_168, %mul3A_169 : i32
      %mul3A_171 = arith.constant 80 : i32
      %mul3A_172 = arith.muli %scan3A_168, %mul3A_171 : i32
      %add3A_173 = vector.broadcast %mul3A_170 : i32 to vector<16xi32>
      %add3A_174 = arith.addi %add3A_173, %add3A_47 : vector<16xi32>
      %gather3A_175 = tpu.vector_load_idx %arg5[%add3A_174] : memref<3072xf32, #tpu.memory_space<vmem>>[vector<16xi32>], vector<16xf32>,
      %add3A_176 = vector.broadcast %mul3A_170 : i32 to vector<16xi32>
      %add3A_177 = arith.addi %add3A_176, %add3A_53 : vector<16xi32>
      %gather3A_178 = tpu.vector_load_idx %arg5[%add3A_177] : memref<3072xf32, #tpu.memory_space<vmem>>[vector<16xi32>], vector<16xf32>,
      %add3A_179 = vector.broadcast %mul3A_170 : i32 to vector<16xi32>
      %add3A_180 = arith.addi %add3A_179, %add3A_59 : vector<16xi32>
      %gather3A_181 = tpu.vector_load_idx %arg5[%add3A_180] : memref<3072xf32, #tpu.memory_space<vmem>>[vector<16xi32>], vector<16xf32>,
      %eq3A_182 = arith.constant 1.000000e+00 : f32
      %eq3A_183 = vector.broadcast %eq3A_182 : f32 to vector<16xf32>
      %eq3A_184 = arith.cmpf oeq, %gather3A_175, %eq3A_183 : vector<16xf32>
      %eq3A_185 = arith.constant 0.000000e+00 : f32
      %eq3A_186 = vector.broadcast %eq3A_185 : f32 to vector<16xf32>
      %eq3A_187 = arith.cmpf oeq, %gather3A_178, %eq3A_186 : vector<16xf32>
      %and3A_188 = arith.andi %eq3A_184, %eq3A_187 : vector<16xi1>
      %mul3A_189 = arith.mulf %gather3A_175, %get3A_3 : vector<16xf32>
      %add3A_190 = arith.addf %get3A_33, %mul3A_189 : vector<16xf32>
      %mul3A_191 = arith.mulf %gather3A_178, %get3A_5 : vector<16xf32>
      %add3A_192 = arith.addf %add3A_190, %mul3A_191 : vector<16xf32>
      %mul3A_193 = arith.mulf %gather3A_181, %get3A_7 : vector<16xf32>
      %add3A_194 = arith.addf %add3A_192, %mul3A_193 : vector<16xf32>
      %jit3A_195 = arith.constant 0.000000e+00 : f32
      %broadcast_in_dim3A_196 = vector.broadcast %jit3A_195 : f32 to vector<16xf32>
      %select_n3A_197 = arith.select %and3A_188, %add3A_194, %broadcast_in_dim3A_196 : vector<16xi1>, vector<16xf32>
      %add3A_198 = vector.broadcast %mul3A_172 : i32 to vector<16xi32>
      %add3A_199 = arith.addi %add3A_198, %add3A_65 : vector<16xi32>
      tpu.vector_store_idx %arg6[%add3A_199], %select_n3A_197 : memref<5120xf32, #tpu.memory_space<vmem>>[vector<16xi32>], vector<16xf32>,
      %mul3A_200 = arith.mulf %gather3A_175, %get3A_9 : vector<16xf32>
      %add3A_201 = arith.addf %get3A_35, %mul3A_200 : vector<16xf32>
      %mul3A_202 = arith.mulf %gather3A_178, %get3A_11 : vector<16xf32>
      %add3A_203 = arith.addf %add3A_201, %mul3A_202 : vector<16xf32>
      %mul3A_204 = arith.mulf %gather3A_181, %get3A_13 : vector<16xf32>
      %add3A_205 = arith.addf %add3A_203, %mul3A_204 : vector<16xf32>
      %jit3A_206 = arith.constant 0.000000e+00 : f32
      %broadcast_in_dim3A_207 = vector.broadcast %jit3A_206 : f32 to vector<16xf32>
      %select_n3A_208 = arith.select %and3A_188, %add3A_205, %broadcast_in_dim3A_207 : vector<16xi1>, vector<16xf32>
      %add3A_209 = vector.broadcast %mul3A_172 : i32 to vector<16xi32>
      %add3A_210 = arith.addi %add3A_209, %add3A_71 : vector<16xi32>
      tpu.vector_store_idx %arg6[%add3A_210], %select_n3A_208 : memref<5120xf32, #tpu.memory_space<vmem>>[vector<16xi32>], vector<16xf32>,
      %mul3A_211 = arith.mulf %gather3A_175, %get3A_15 : vector<16xf32>
      %add3A_212 = arith.addf %get3A_37, %mul3A_211 : vector<16xf32>
      %mul3A_213 = arith.mulf %gather3A_178, %get3A_17 : vector<16xf32>
      %add3A_214 = arith.addf %add3A_212, %mul3A_213 : vector<16xf32>
      %mul3A_215 = arith.mulf %gather3A_181, %get3A_19 : vector<16xf32>
      %add3A_216 = arith.addf %add3A_214, %mul3A_215 : vector<16xf32>
      %jit3A_217 = arith.constant 0.000000e+00 : f32
      %broadcast_in_dim3A_218 = vector.broadcast %jit3A_217 : f32 to vector<16xf32>
      %select_n3A_219 = arith.select %and3A_188, %add3A_216, %broadcast_in_dim3A_218 : vector<16xi1>, vector<16xf32>
      %add3A_220 = vector.broadcast %mul3A_172 : i32 to vector<16xi32>
      %add3A_221 = arith.addi %add3A_220, %add3A_77 : vector<16xi32>
      tpu.vector_store_idx %arg6[%add3A_221], %select_n3A_219 : memref<5120xf32, #tpu.memory_space<vmem>>[vector<16xi32>], vector<16xf32>,
      %mul3A_222 = arith.mulf %gather3A_175, %get3A_21 : vector<16xf32>
      %add3A_223 = arith.addf %get3A_39, %mul3A_222 : vector<16xf32>
      %mul3A_224 = arith.mulf %gather3A_178, %get3A_23 : vector<16xf32>
      %add3A_225 = arith.addf %add3A_223, %mul3A_224 : vector<16xf32>
      %mul3A_226 = arith.mulf %gather3A_181, %get3A_25 : vector<16xf32>
      %add3A_227 = arith.addf %add3A_225, %mul3A_226 : vector<16xf32>
      %jit3A_228 = arith.constant 0.000000e+00 : f32
      %broadcast_in_dim3A_229 = vector.broadcast %jit3A_228 : f32 to vector<16xf32>
      %select_n3A_230 = arith.select %and3A_188, %add3A_227, %broadcast_in_dim3A_229 : vector<16xi1>, vector<16xf32>
      %add3A_231 = vector.broadcast %mul3A_172 : i32 to vector<16xi32>
      %add3A_232 = arith.addi %add3A_231, %add3A_83 : vector<16xi32>
      tpu.vector_store_idx %arg6[%add3A_232], %select_n3A_230 : memref<5120xf32, #tpu.memory_space<vmem>>[vector<16xi32>], vector<16xf32>,
      %mul3A_233 = arith.mulf %gather3A_175, %get3A_27 : vector<16xf32>
      %add3A_234 = arith.addf %get3A_41, %mul3A_233 : vector<16xf32>
      %mul3A_235 = arith.mulf %gather3A_178, %get3A_29 : vector<16xf32>
      %add3A_236 = arith.addf %add3A_234, %mul3A_235 : vector<16xf32>
      %mul3A_237 = arith.mulf %gather3A_181, %get3A_31 : vector<16xf32>
      %add3A_238 = arith.addf %add3A_236, %mul3A_237 : vector<16xf32>
      %jit3A_239 = arith.constant 0.000000e+00 : f32
      %broadcast_in_dim3A_240 = vector.broadcast %jit3A_239 : f32 to vector<16xf32>
      %select_n3A_241 = arith.select %and3A_188, %add3A_238, %broadcast_in_dim3A_240 : vector<16xi1>, vector<16xf32>
      %add3A_242 = vector.broadcast %mul3A_172 : i32 to vector<16xi32>
      %add3A_243 = arith.addi %add3A_242, %add3A_89 : vector<16xi32>
      tpu.vector_store_idx %arg6[%add3A_243], %select_n3A_241 : memref<5120xf32, #tpu.memory_space<vmem>>[vector<16xi32>], vector<16xf32>,
      %scan3A_244 = arith.constant 2 : i32
      %scan3A_245 = arith.addi %scan3A_97, %scan3A_244 : i32
      %mul3A_246 = arith.constant 48 : i32
      %mul3A_247 = arith.muli %scan3A_245, %mul3A_246 : i32
      %mul3A_248 = arith.constant 80 : i32
      %mul3A_249 = arith.muli %scan3A_245, %mul3A_248 : i32
      %add3A_250 = vector.broadcast %mul3A_247 : i32 to vector<16xi32>
      %add3A_251 = arith.addi %add3A_250, %add3A_47 : vector<16xi32>
      %gather3A_252 = tpu.vector_load_idx %arg5[%add3A_251] : memref<3072xf32, #tpu.memory_space<vmem>>[vector<16xi32>], vector<16xf32>,
      %add3A_253 = vector.broadcast %mul3A_247 : i32 to vector<16xi32>
      %add3A_254 = arith.addi %add3A_253, %add3A_53 : vector<16xi32>
      %gather3A_255 = tpu.vector_load_idx %arg5[%add3A_254] : memref<3072xf32, #tpu.memory_space<vmem>>[vector<16xi32>], vector<16xf32>,
      %add3A_256 = vector.broadcast %mul3A_247 : i32 to vector<16xi32>
      %add3A_257 = arith.addi %add3A_256, %add3A_59 : vector<16xi32>
      %gather3A_258 = tpu.vector_load_idx %arg5[%add3A_257] : memref<3072xf32, #tpu.memory_space<vmem>>[vector<16xi32>], vector<16xf32>,
      %eq3A_259 = arith.constant 1.000000e+00 : f32
      %eq3A_260 = vector.broadcast %eq3A_259 : f32 to vector<16xf32>
      %eq3A_261 = arith.cmpf oeq, %gather3A_252, %eq3A_260 : vector<16xf32>
      %eq3A_262 = arith.constant 0.000000e+00 : f32
      %eq3A_263 = vector.broadcast %eq3A_262 : f32 to vector<16xf32>
      %eq3A_264 = arith.cmpf oeq, %gather3A_255, %eq3A_263 : vector<16xf32>
      %and3A_265 = arith.andi %eq3A_261, %eq3A_264 : vector<16xi1>
      %mul3A_266 = arith.mulf %gather3A_252, %get3A_3 : vector<16xf32>
      %add3A_267 = arith.addf %get3A_33, %mul3A_266 : vector<16xf32>
      %mul3A_268 = arith.mulf %gather3A_255, %get3A_5 : vector<16xf32>
      %add3A_269 = arith.addf %add3A_267, %mul3A_268 : vector<16xf32>
      %mul3A_270 = arith.mulf %gather3A_258, %get3A_7 : vector<16xf32>
      %add3A_271 = arith.addf %add3A_269, %mul3A_270 : vector<16xf32>
      %jit3A_272 = arith.constant 0.000000e+00 : f32
      %broadcast_in_dim3A_273 = vector.broadcast %jit3A_272 : f32 to vector<16xf32>
      %select_n3A_274 = arith.select %and3A_265, %add3A_271, %broadcast_in_dim3A_273 : vector<16xi1>, vector<16xf32>
      %add3A_275 = vector.broadcast %mul3A_249 : i32 to vector<16xi32>
      %add3A_276 = arith.addi %add3A_275, %add3A_65 : vector<16xi32>
      tpu.vector_store_idx %arg6[%add3A_276], %select_n3A_274 : memref<5120xf32, #tpu.memory_space<vmem>>[vector<16xi32>], vector<16xf32>,
      %mul3A_277 = arith.mulf %gather3A_252, %get3A_9 : vector<16xf32>
      %add3A_278 = arith.addf %get3A_35, %mul3A_277 : vector<16xf32>
      %mul3A_279 = arith.mulf %gather3A_255, %get3A_11 : vector<16xf32>
      %add3A_280 = arith.addf %add3A_278, %mul3A_279 : vector<16xf32>
      %mul3A_281 = arith.mulf %gather3A_258, %get3A_13 : vector<16xf32>
      %add3A_282 = arith.addf %add3A_280, %mul3A_281 : vector<16xf32>
      %jit3A_283 = arith.constant 0.000000e+00 : f32
      %broadcast_in_dim3A_284 = vector.broadcast %jit3A_283 : f32 to vector<16xf32>
      %select_n3A_285 = arith.select %and3A_265, %add3A_282, %broadcast_in_dim3A_284 : vector<16xi1>, vector<16xf32>
      %add3A_286 = vector.broadcast %mul3A_249 : i32 to vector<16xi32>
      %add3A_287 = arith.addi %add3A_286, %add3A_71 : vector<16xi32>
      tpu.vector_store_idx %arg6[%add3A_287], %select_n3A_285 : memref<5120xf32, #tpu.memory_space<vmem>>[vector<16xi32>], vector<16xf32>,
      %mul3A_288 = arith.mulf %gather3A_252, %get3A_15 : vector<16xf32>
      %add3A_289 = arith.addf %get3A_37, %mul3A_288 : vector<16xf32>
      %mul3A_290 = arith.mulf %gather3A_255, %get3A_17 : vector<16xf32>
      %add3A_291 = arith.addf %add3A_289, %mul3A_290 : vector<16xf32>
      %mul3A_292 = arith.mulf %gather3A_258, %get3A_19 : vector<16xf32>
      %add3A_293 = arith.addf %add3A_291, %mul3A_292 : vector<16xf32>
      %jit3A_294 = arith.constant 0.000000e+00 : f32
      %broadcast_in_dim3A_295 = vector.broadcast %jit3A_294 : f32 to vector<16xf32>
      %select_n3A_296 = arith.select %and3A_265, %add3A_293, %broadcast_in_dim3A_295 : vector<16xi1>, vector<16xf32>
      %add3A_297 = vector.broadcast %mul3A_249 : i32 to vector<16xi32>
      %add3A_298 = arith.addi %add3A_297, %add3A_77 : vector<16xi32>
      tpu.vector_store_idx %arg6[%add3A_298], %select_n3A_296 : memref<5120xf32, #tpu.memory_space<vmem>>[vector<16xi32>], vector<16xf32>,
      %mul3A_299 = arith.mulf %gather3A_252, %get3A_21 : vector<16xf32>
      %add3A_300 = arith.addf %get3A_39, %mul3A_299 : vector<16xf32>
      %mul3A_301 = arith.mulf %gather3A_255, %get3A_23 : vector<16xf32>
      %add3A_302 = arith.addf %add3A_300, %mul3A_301 : vector<16xf32>
      %mul3A_303 = arith.mulf %gather3A_258, %get3A_25 : vector<16xf32>
      %add3A_304 = arith.addf %add3A_302, %mul3A_303 : vector<16xf32>
      %jit3A_305 = arith.constant 0.000000e+00 : f32
      %broadcast_in_dim3A_306 = vector.broadcast %jit3A_305 : f32 to vector<16xf32>
      %select_n3A_307 = arith.select %and3A_265, %add3A_304, %broadcast_in_dim3A_306 : vector<16xi1>, vector<16xf32>
      %add3A_308 = vector.broadcast %mul3A_249 : i32 to vector<16xi32>
      %add3A_309 = arith.addi %add3A_308, %add3A_83 : vector<16xi32>
      tpu.vector_store_idx %arg6[%add3A_309], %select_n3A_307 : memref<5120xf32, #tpu.memory_space<vmem>>[vector<16xi32>], vector<16xf32>,
      %mul3A_310 = arith.mulf %gather3A_252, %get3A_27 : vector<16xf32>
      %add3A_311 = arith.addf %get3A_41, %mul3A_310 : vector<16xf32>
      %mul3A_312 = arith.mulf %gather3A_255, %get3A_29 : vector<16xf32>
      %add3A_313 = arith.addf %add3A_311, %mul3A_312 : vector<16xf32>
      %mul3A_314 = arith.mulf %gather3A_258, %get3A_31 : vector<16xf32>
      %add3A_315 = arith.addf %add3A_313, %mul3A_314 : vector<16xf32>
      %jit3A_316 = arith.constant 0.000000e+00 : f32
      %broadcast_in_dim3A_317 = vector.broadcast %jit3A_316 : f32 to vector<16xf32>
      %select_n3A_318 = arith.select %and3A_265, %add3A_315, %broadcast_in_dim3A_317 : vector<16xi1>, vector<16xf32>
      %add3A_319 = vector.broadcast %mul3A_249 : i32 to vector<16xi32>
      %add3A_320 = arith.addi %add3A_319, %add3A_89 : vector<16xi32>
      tpu.vector_store_idx %arg6[%add3A_320], %select_n3A_318 : memref<5120xf32, #tpu.memory_space<vmem>>[vector<16xi32>], vector<16xf32>,
      %scan3A_321 = arith.constant 3 : i32
      %scan3A_322 = arith.addi %scan3A_97, %scan3A_321 : i32
      %mul3A_323 = arith.constant 48 : i32
      %mul3A_324 = arith.muli %scan3A_322, %mul3A_323 : i32
      %mul3A_325 = arith.constant 80 : i32
      %mul3A_326 = arith.muli %scan3A_322, %mul3A_325 : i32
      %add3A_327 = vector.broadcast %mul3A_324 : i32 to vector<16xi32>
      %add3A_328 = arith.addi %add3A_327, %add3A_47 : vector<16xi32>
      %gather3A_329 = tpu.vector_load_idx %arg5[%add3A_328] : memref<3072xf32, #tpu.memory_space<vmem>>[vector<16xi32>], vector<16xf32>,
      %add3A_330 = vector.broadcast %mul3A_324 : i32 to vector<16xi32>
      %add3A_331 = arith.addi %add3A_330, %add3A_53 : vector<16xi32>
      %gather3A_332 = tpu.vector_load_idx %arg5[%add3A_331] : memref<3072xf32, #tpu.memory_space<vmem>>[vector<16xi32>], vector<16xf32>,
      %add3A_333 = vector.broadcast %mul3A_324 : i32 to vector<16xi32>
      %add3A_334 = arith.addi %add3A_333, %add3A_59 : vector<16xi32>
      %gather3A_335 = tpu.vector_load_idx %arg5[%add3A_334] : memref<3072xf32, #tpu.memory_space<vmem>>[vector<16xi32>], vector<16xf32>,
      %eq3A_336 = arith.constant 1.000000e+00 : f32
      %eq3A_337 = vector.broadcast %eq3A_336 : f32 to vector<16xf32>
      %eq3A_338 = arith.cmpf oeq, %gather3A_329, %eq3A_337 : vector<16xf32>
      %eq3A_339 = arith.constant 0.000000e+00 : f32
      %eq3A_340 = vector.broadcast %eq3A_339 : f32 to vector<16xf32>
      %eq3A_341 = arith.cmpf oeq, %gather3A_332, %eq3A_340 : vector<16xf32>
      %and3A_342 = arith.andi %eq3A_338, %eq3A_341 : vector<16xi1>
      %mul3A_343 = arith.mulf %gather3A_329, %get3A_3 : vector<16xf32>
      %add3A_344 = arith.addf %get3A_33, %mul3A_343 : vector<16xf32>
      %mul3A_345 = arith.mulf %gather3A_332, %get3A_5 : vector<16xf32>
      %add3A_346 = arith.addf %add3A_344, %mul3A_345 : vector<16xf32>
      %mul3A_347 = arith.mulf %gather3A_335, %get3A_7 : vector<16xf32>
      %add3A_348 = arith.addf %add3A_346, %mul3A_347 : vector<16xf32>
      %jit3A_349 = arith.constant 0.000000e+00 : f32
      %broadcast_in_dim3A_350 = vector.broadcast %jit3A_349 : f32 to vector<16xf32>
      %select_n3A_351 = arith.select %and3A_342, %add3A_348, %broadcast_in_dim3A_350 : vector<16xi1>, vector<16xf32>
      %add3A_352 = vector.broadcast %mul3A_326 : i32 to vector<16xi32>
      %add3A_353 = arith.addi %add3A_352, %add3A_65 : vector<16xi32>
      tpu.vector_store_idx %arg6[%add3A_353], %select_n3A_351 : memref<5120xf32, #tpu.memory_space<vmem>>[vector<16xi32>], vector<16xf32>,
      %mul3A_354 = arith.mulf %gather3A_329, %get3A_9 : vector<16xf32>
      %add3A_355 = arith.addf %get3A_35, %mul3A_354 : vector<16xf32>
      %mul3A_356 = arith.mulf %gather3A_332, %get3A_11 : vector<16xf32>
      %add3A_357 = arith.addf %add3A_355, %mul3A_356 : vector<16xf32>
      %mul3A_358 = arith.mulf %gather3A_335, %get3A_13 : vector<16xf32>
      %add3A_359 = arith.addf %add3A_357, %mul3A_358 : vector<16xf32>
      %jit3A_360 = arith.constant 0.000000e+00 : f32
      %broadcast_in_dim3A_361 = vector.broadcast %jit3A_360 : f32 to vector<16xf32>
      %select_n3A_362 = arith.select %and3A_342, %add3A_359, %broadcast_in_dim3A_361 : vector<16xi1>, vector<16xf32>
      %add3A_363 = vector.broadcast %mul3A_326 : i32 to vector<16xi32>
      %add3A_364 = arith.addi %add3A_363, %add3A_71 : vector<16xi32>
      tpu.vector_store_idx %arg6[%add3A_364], %select_n3A_362 : memref<5120xf32, #tpu.memory_space<vmem>>[vector<16xi32>], vector<16xf32>,
      %mul3A_365 = arith.mulf %gather3A_329, %get3A_15 : vector<16xf32>
      %add3A_366 = arith.addf %get3A_37, %mul3A_365 : vector<16xf32>
      %mul3A_367 = arith.mulf %gather3A_332, %get3A_17 : vector<16xf32>
      %add3A_368 = arith.addf %add3A_366, %mul3A_367 : vector<16xf32>
      %mul3A_369 = arith.mulf %gather3A_335, %get3A_19 : vector<16xf32>
      %add3A_370 = arith.addf %add3A_368, %mul3A_369 : vector<16xf32>
      %jit3A_371 = arith.constant 0.000000e+00 : f32
      %broadcast_in_dim3A_372 = vector.broadcast %jit3A_371 : f32 to vector<16xf32>
      %select_n3A_373 = arith.select %and3A_342, %add3A_370, %broadcast_in_dim3A_372 : vector<16xi1>, vector<16xf32>
      %add3A_374 = vector.broadcast %mul3A_326 : i32 to vector<16xi32>
      %add3A_375 = arith.addi %add3A_374, %add3A_77 : vector<16xi32>
      tpu.vector_store_idx %arg6[%add3A_375], %select_n3A_373 : memref<5120xf32, #tpu.memory_space<vmem>>[vector<16xi32>], vector<16xf32>,
      %mul3A_376 = arith.mulf %gather3A_329, %get3A_21 : vector<16xf32>
      %add3A_377 = arith.addf %get3A_39, %mul3A_376 : vector<16xf32>
      %mul3A_378 = arith.mulf %gather3A_332, %get3A_23 : vector<16xf32>
      %add3A_379 = arith.addf %add3A_377, %mul3A_378 : vector<16xf32>
      %mul3A_380 = arith.mulf %gather3A_335, %get3A_25 : vector<16xf32>
      %add3A_381 = arith.addf %add3A_379, %mul3A_380 : vector<16xf32>
      %jit3A_382 = arith.constant 0.000000e+00 : f32
      %broadcast_in_dim3A_383 = vector.broadcast %jit3A_382 : f32 to vector<16xf32>
      %select_n3A_384 = arith.select %and3A_342, %add3A_381, %broadcast_in_dim3A_383 : vector<16xi1>, vector<16xf32>
      %add3A_385 = vector.broadcast %mul3A_326 : i32 to vector<16xi32>
      %add3A_386 = arith.addi %add3A_385, %add3A_83 : vector<16xi32>
      tpu.vector_store_idx %arg6[%add3A_386], %select_n3A_384 : memref<5120xf32, #tpu.memory_space<vmem>>[vector<16xi32>], vector<16xf32>,
      %mul3A_387 = arith.mulf %gather3A_329, %get3A_27 : vector<16xf32>
      %add3A_388 = arith.addf %get3A_41, %mul3A_387 : vector<16xf32>
      %mul3A_389 = arith.mulf %gather3A_332, %get3A_29 : vector<16xf32>
      %add3A_390 = arith.addf %add3A_388, %mul3A_389 : vector<16xf32>
      %mul3A_391 = arith.mulf %gather3A_335, %get3A_31 : vector<16xf32>
      %add3A_392 = arith.addf %add3A_390, %mul3A_391 : vector<16xf32>
      %jit3A_393 = arith.constant 0.000000e+00 : f32
      %broadcast_in_dim3A_394 = vector.broadcast %jit3A_393 : f32 to vector<16xf32>
      %select_n3A_395 = arith.select %and3A_342, %add3A_392, %broadcast_in_dim3A_394 : vector<16xi1>, vector<16xf32>
      %add3A_396 = vector.broadcast %mul3A_326 : i32 to vector<16xi32>
      %add3A_397 = arith.addi %add3A_396, %add3A_89 : vector<16xi32>
      tpu.vector_store_idx %arg6[%add3A_397], %select_n3A_395 : memref<5120xf32, #tpu.memory_space<vmem>>[vector<16xi32>], vector<16xf32>,
    }
    %scan3A_94 = arith.constant 64 : i32
    %mul3A_95 = arith.constant 5120 : i32
    %mul3A_96 = arith.muli %add3A, %mul3A_95 : i32
    "tpu.region"() ({
      %run_scoped3A = tpu.sem_alloc : memref<!tpu.dma_semaphore, #tpu.memory_space<semaphore_mem>>
      %dma_start3A = tpu.memref_slice %arg4[%mul3A_96] : memref<163840xf32, #tpu.memory_space<hbm>> -> memref<5120xf32, #tpu.memory_space<hbm>>
      %dma_start3A_97 = tpu.memref_slice %arg4[%mul3A_96] : memref<163840xf32, #tpu.memory_space<hbm>> -> memref<5120xf32, #tpu.memory_space<hbm>>
      tpu.enqueue_dma source(%arg6 : memref<5120xf32, #tpu.memory_space<vmem>>) target(%dma_start3A_97 : memref<5120xf32, #tpu.memory_space<hbm>>) target_semaphore(%run_scoped3A : memref<!tpu.dma_semaphore, #tpu.memory_space<semaphore_mem>>)
      %dma_wait3A = tpu.memref_slice %arg4[%mul3A_96] : memref<163840xf32, #tpu.memory_space<hbm>> -> memref<5120xf32, #tpu.memory_space<hbm>>
      %dma_wait3A_98 = tpu.memref_slice %arg4[%mul3A_96] : memref<163840xf32, #tpu.memory_space<hbm>> -> memref<5120xf32, #tpu.memory_space<hbm>>
      tpu.wait_dma2 semaphore(%run_scoped3A : memref<!tpu.dma_semaphore, #tpu.memory_space<semaphore_mem>>) src(%arg6 : memref<5120xf32, #tpu.memory_space<vmem>>) dst(%dma_wait3A_98 : memref<5120xf32, #tpu.memory_space<hbm>>)
      tpu.yield
    }) : () -> ()
    return
  }
}

</mosaic_0001>

<sc_bundles>
// kernel: kernel.3.cloned.1.call-start
scs
__scs_entry_jumppad:
0x0: {  	(pc) =	sbr.rel $0x88, $3  }
0x1: {  	(tag) =	ssettag $0x0;
	lr =	simm.s32 $0x1  }
0x2: {  	[smem:$0x3F9E] =	sst lr;
	_ =	strace $0xD0000000  }
0x3: {  	_ = 	snop  }
0x4: {  	_ = 	snop  }
0x5: {  	_ = 	snop  }
0x6: {  	_ = 	snop  }
0x7: {  	_ = 	snop  }
__scs_overlays_trampoline_lowered:
0x8: {  	[smem:$0x3FAD] =	sst s0  }
0x9: {  	[smem:$0x3FAE] =	sst s1  }
0xa: {  	[smem:$0x3FAF] =	sst s2  }
0xb: {  	[smem:$0x3FB0] =	sst s3  }
0xc: {  	[smem:$0x3FB1] =	sst s4  }
0xd: {  	[smem:$0x3FB2] =	sst s5  }
0xe: {  	[smem:$0x3FB3] =	sst s6  }
0xf: {  	[smem:$0x3FB4] =	sst s7  }
0x10: {  	[smem:$0x3FB5] =	sst s8  }
0x11: {  	[smem:$0x3FB6] =	sst s9;
	s0 =	simm.s32 @!p0 $0x0  }
0x12: {  	s1 =	sld [smem:$0x3F9C];
	s0 =	simm.s32 @p0 $0x1  }
0x13: {  	[smem:$0x3FB7] =	sst s0;
	s0 =	simm.s32 @!p1 $0x0  }
0x14: {  	s2 =	sld [smem:$0x3F9B];
	s0 =	simm.s32 @p1 $0x1  }
0x15: {  	[smem:$0x3FB8] =	sst s0;
	s0 =	simm.s32 @!p2 $0x0  }
0x16: {  	s3 =	sld [smem:$0x3FDB];
	s0 =	simm.s32 @p2 $0x1  }
0x17: {  	s4 =	simm.s32 $0x1BF5;
	[smem:$0x3FBA] =	sst s0  }
0x18: {  	s0 =	sld [smem:$0x3F9D];
	_ =	swait.ge [sflag:s4], $0x0  }
0x19: {  	s7 =	sld [smem:$0x3F9E]  }
0x1a: {  	s8 =	sadd.s32 $0xFFFFE003, lr  }
0x1b: {  	s9 =	sadd.s32 $0xFFFFFEF7, lr;
	s5 =	simm.s32 $0xFFFFFFFF;
	p2 =	slt.u32 s8, $0xFFFFF086  }
0x1c: {  	p1 =	slt.u32 s9, $0xF7A;
	s5 =	simm.s32 @!p2 $0x0  }
0x1d: {  	s5 =	simm.s32 @p1 $0x1;
	p0 =	seq.s32 s7, s2  }
0x1e: {  	s7 =	smul.u32 @!p0 $0xF7A, s2;
	p2 =	seq.s32 @!p0 s5, $0x0  }
0x1f: {  	s9 =	smul.u32 $0xF7A, s1;
	s8 =	simm.s32 @!p0 $0x1BF5;
	p2 =	por !p2, p0  }
0x20: {  	[sflag:s8] =	ssyncset.s32 @!p0 $0xFFFFF086;
	s6 =	sadd.s32 @!p0 s3, s7;
	s7 =	simm.s32 @!p0 $0x108  }
0x21: {  	s3 =	sadd.s32 s3, s9;
	s6 =	sadd.s32 @!p0 $0x88, s6;
	s7 =	simm.s32 @p2 $0x1082  }
0x22: {  	[simem:s7], [sflag:s8] =	dma.local @!p0 [hbm:s6], $0xF7A  }
0x23: {  	s9 =	sor.u32 $0xD0000000, s2;
	s6 =	simm.s32 $0x108;
	_ =	swait.ge @!p0 [sflag:s8], $0x0  }
0x24: {  	s3 =	sadd.s32 $0x88, s3;
	s6 =	simm.s32 @!p1 $0x1082;
	[sflag:s4] =	ssyncset.s32 $0xFFFFF086  }
0x25: {  	[simem:s6], [sflag:s4] =	dma.local [hbm:s3], $0xF7A  }
0x26: {  	[smem:$0x3F9E] =	sst s1;
	(tag) =	ssettag s2;
	_ =	strace s9  }
0x27: {  	s1 =	sld [smem:$0x3FAE]  }
0x28: {  	s2 =	sld [smem:$0x3FAF]  }
0x29: {  	s4 =	sld [smem:$0x3FB1]  }
0x2a: {  	p0 =	seq.s32 s5, $0x0;
	s5 =	sld [smem:$0x3FB2]  }
0x2b: {  	s6 =	sld [smem:$0x3FB3]  }
0x2c: {  	s7 =	sld [smem:$0x3FB4]  }
0x2d: {  	s3 =	simm.s32 $0x108;
	s8 =	sld [smem:$0x3FB5]  }
0x2e: {  	s3 =	simm.s32 @!p0 $0x1082;
	s9 =	sld [smem:$0x3FB6]  }
0x2f: {  	lr =	sadd.s32 s0, s3;
	s0 =	sld [smem:$0x3FAD]  }
0x30: {  	s3 =	sld [smem:$0x3FB0]  }
0x31: {  	[smem:$0x3FB9] =	sst s10  }
0x32: {  	s10 =	sld [smem:$0x3FB7];
	_ =	sdelay $0x3  }
0x33: {  	p0 =	seq.s32 s10, $0x1;
	s10 =	sld [smem:$0x3FB9];
	_ =	sdelay $0x3  }
0x34: {  	[smem:$0x3FB9] =	sst s10  }
0x35: {  	s10 =	sld [smem:$0x3FB8];
	_ =	sdelay $0x3  }
0x36: {  	p1 =	seq.s32 s10, $0x1;
	s10 =	sld [smem:$0x3FB9];
	_ =	sdelay $0x3  }
0x37: {  	[smem:$0x3FB9] =	sst s10  }
0x38: {  	s10 =	sld [smem:$0x3FBA]  }
0x39: {  	_ = 	snop;
	(pc) =	sbr.ind lr, $3  }
0x3a: {  	_ = 	snop  }
0x3b: {  	_ = 	snop  }
0x3c: {  	p2 =	seq.s32 s10, $0x1;
	s10 =	sld [smem:$0x3FB9]  }
0x3d: {  	_ =	shalt  }
0x3e: {  	_ =	shalt  }
0x3f: {  	_ =	shalt  }
0x40: {  	_ =	shalt  }
0x41: {  	_ =	shalt  }
0x42: {  	_ =	shalt  }
0x43: {  	_ =	shalt  }
0x44: {  	_ =	shalt  }
0x45: {  	_ =	shalt  }
0x46: {  	_ =	shalt  }
0x47: {  	_ =	shalt  }
0x48: {  	_ =	shalt  }
0x49: {  	_ =	shalt  }
0x4a: {  	_ =	shalt  }
0x4b: {  	_ =	shalt  }
0x4c: {  	_ =	shalt  }
0x4d: {  	_ =	shalt  }
0x4e: {  	_ =	shalt  }
0x4f: {  	_ =	shalt  }
0x50: {  	_ =	shalt  }
0x51: {  	_ =	shalt  }
0x52: {  	_ =	shalt  }
0x53: {  	_ =	shalt  }
0x54: {  	_ =	shalt  }
0x55: {  	_ =	shalt  }
0x56: {  	_ =	shalt  }
0x57: {  	_ =	shalt  }
0x58: {  	_ =	shalt  }
0x59: {  	_ =	shalt  }
0x5a: {  	_ =	shalt  }
0x5b: {  	_ =	shalt  }
0x5c: {  	_ =	shalt  }
0x5d: {  	_ =	shalt  }
0x5e: {  	_ =	shalt  }
0x5f: {  	_ =	shalt  }
0x60: {  	_ =	shalt  }
0x61: {  	_ =	shalt  }
0x62: {  	_ =	shalt  }
0x63: {  	_ =	shalt  }
0x64: {  	_ =	shalt  }
0x65: {  	_ =	shalt  }
0x66: {  	_ =	shalt  }
0x67: {  	_ =	shalt  }
0x68: {  	_ =	shalt  }
0x69: {  	_ =	shalt  }
0x6a: {  	_ =	shalt  }
0x6b: {  	_ =	shalt  }
0x6c: {  	_ =	shalt  }
0x6d: {  	_ =	shalt  }
0x6e: {  	_ =	shalt  }
0x6f: {  	_ =	shalt  }
0x70: {  	_ =	shalt  }
0x71: {  	_ =	shalt  }
0x72: {  	_ =	shalt  }
0x73: {  	_ =	shalt  }
0x74: {  	_ =	shalt  }
0x75: {  	_ =	shalt  }
0x76: {  	_ =	shalt  }
0x77: {  	_ =	shalt  }
0x78: {  	_ =	shalt  }
0x79: {  	_ =	shalt  }
0x7a: {  	_ =	shalt  }
0x7b: {  	_ =	shalt  }
0x7c: {  	_ =	shalt  }
0x7d: {  	_ =	shalt  }
0x7e: {  	_ =	shalt  }
0x7f: {  	_ =	shalt  }
0x80: {  	_ =	shalt  }
0x81: {  	_ =	shalt  }
0x82: {  	_ =	shalt  }
0x83: {  	_ =	shalt  }
0x84: {  	_ =	shalt  }
0x85: {  	_ =	shalt  }
0x86: {  	_ =	shalt  }
0x87: {  	_ =	shalt  }
.Lfunc_end0:
.L_simem_size_0:
called_computation_lowered:
.L_overlay_start_0:
0x88: {  	s2 =	sld [smem:$0x3FD9]  }
0x89: {  	s3 =	sld [smem:$0x3FFE];
	_ =	sdelay $0x1  }
0x8a: {  	s1 =	srdreg.scid  }
0x8b: {  	s0 =	sand.u32 $0x1, s1  }
0x8c: {  	s17 =	sshll.u32 s0, $0xA;
	s2 =	sadd.s32 s3, s2  }
0x8d: {  	s2 =	sadd.s32 s2, s17  }
0x8e: {  	[smem:$0x3FC5] =	sst s2  }
0x8f: {  	_ = 	snop  }
0x90: {  	s2 =	sld [smem:$0x3FD0];
	(tm) =	ssettm $0x1  }
0x91: {  	s18 =	sld [smem:$0x3FFB];
	_ =	sdelay $0x3  }
0x92: {  	_ =	strace s18  }
0x93: {  	s3 =	sld [smem:$0x3FFC];
	_ =	sdelay $0x3  }
0x94: {  	_ =	strace s3  }
0x95: {  	s3 =	sld [smem:$0x3FFD];
	_ =	sdelay $0x3  }
0x96: {  	_ =	strace s3  }
0x97: {  	_ =	strace $0x8FFFFFFF  }
0x98: {  	s19 =	sld [smem:$0x3FDB];
	_ =	sdelay $0x1  }
0x99: {  	s4 =	simm.s32 $_scs_section_size  }
0x9a: {  	s5 =	simm.s32 $_size__tile_overlayer_lowered;
	s6 =	simm.s32 $_tile_overlayer_lowered  }
0x9b: {  	s22 =	simm.s32 $0x1BFF;
	s21 =	sshll.u32 s6, $0x1;
	s3 =	sadd.s32 s4, s19  }
0x9c: {  	s7 =	simm.s32 $0x0;
	s20 =	sshll.u32 s5, $0x1;
	s5 =	sadd.s32 s21, s3  }
0x9d: {  	[timem:s7], [sflag:s22] =	dma.local [hbm:s5], s20  }
0x9e: {  	_ =	swait.ge [sflag:s22], s20  }
0x9f: {  	s4 =	ssub.s32 $0x0, s20;
	[sflag:s22] =	ssyncset.done $0x0  }
0xa0: {  	[sflag:s22] =	ssyncadd.s32 s4;
	_ =	sdelay $0x1  }
0xa1: {  	s23 =	simm.s32 $0x1B8B  }
0xa2: {  	_ =	swait.ge [sflag:s23], $0x1  }
0xa3: {  	[sflag:s23] =	ssyncset.done $0x0  }
0xa4: {  	s25 =	simm.s32 $0x1B8E;
	s24 =	sld [smem:$0x3FFE];
	[sflag:s23] =	ssyncadd.s32 $0xFFFFFFFF  }
0xa5: {  	s26 =	simm.s32 $execute0_lowered;
	[smem:$0x3FD2] =	sst s25  }
0xa6: {  	s5 =	sshll.u32 s26, $0x1;
	_ =	strace $0x80000046;
	[dreg:$0x1] =	wrdreg $0xFFFFFFFF  }
0xa7: {  	s28 =	simm.s32 $_size_execute0_lowered;
	s3 =	sadd.s32 s3, s5;
	[dreg:$0x0] =	wrdreg $0x0  }
0xa8: {  	s5 =	sshll.u32 s28, $0x1;
	[dreg:$0x2] =	wrdreg s3  }
0xa9: {  	[dreg:$0x3] =	wrdreg s5  }
0xaa: {  	[dreg:$0x4] =	wrdreg $0xC0  }
0xab: {  	_ =	task [dreg:s7], $0x5FFFF  }
0xac: {  	[dreg:$0x1] =	wrdreg $0xFFFFFFFF  }
0xad: {  	[dreg:$0x0] =	wrdreg $0x60  }
0xae: {  	[dreg:$0x2] =	wrdreg s24  }
0xaf: {  	[dreg:$0x3] =	wrdreg s2  }
0xb0: {  	[dreg:$0x4] =	wrdreg $0x9  }
0xb1: {  	_ =	task.clear_ibuf [dreg:s7], $0x5FFFF;
	_ =	strace $0x90000046  }
0xb2: {  	s29 =	simm.s32 $0x9;
	_ =	strace $0x80000048  }
0xb3: {  	_ =	swait.ge [sflag:s29], $0x1  }
0xb4: {  	[sflag:s29] =	ssyncadd.s32 $0xFFFFFFFF  }
0xb5: {  	_ =	strace $0x90000048  }
0xb6: {  	_ =	sfence  }
0xb7: {  	s30 =	sld [smem:$0x0];
	_ =	sdelay $0x2  }
0xb8: {  	s31 =	sshll.u32 s1, $0xD;
	s1 =	sshrl.u32 s1, $0x2  }
0xb9: {  	s3 =	sand.u32 $0x4000, s31;
	s1 =	sadd.s32 s1, s30  }
0xba: {  	s0 =	sor.u32 s3, s0;
	s1 =	sshll.u32 s1, $0x11  }
0xbb: {  	s0 =	sor.u32 s1, s0  }
0xbc: {  	s0 =	sadd.s32 $0x8F2B, s0  }
0xbd: {  	[sflag:s0] =	ssyncadd.remote.s32 $0x1  }
0xbe: {  	_ =	sfence.sel $0xFFFF  }
0xbf: {  	[dreg:$0x0] =	wrdreg $0xFFFFFFFF;
	(pc) =	sbr.abs _section_cstart, $3  }
0xc0: {  	[dreg:$0x1] =	wrdreg $0xFFFFFFFF  }
0xc1: {  	_ =	task.clear_ibuf [dreg:s7], $0x2FFFF;
	_ =	strace $0x9FFFFFFF  }
0xc2: {  	(tm) =	ssettm $0x7FFFFFFF  }
0xc3: {  	_ =	shalt  }
tec
execute0_lowered:
.L_overlay_start_1:
0x0: {  	(tag) =	ssettag $0x1  }
0x1: {  	s3 =	rddreg [dreg:$0x0];
	s1 =	srdreg.scid  }
0x2: {  	s0 =	stileid.u32;
	s5 =	rddreg [dreg:$0x1]  }
0x3: {  	s2 =	simm.s32 $0x0;
	s4 =	sand.u32 $0x1, s1;
	s6 =	sshll.u32 s0, $0x1  }
0x4: {  	s9 =	simm.s32 $0xC00;
	s10 =	simm.s32 $0x0;
	s6 =	sor.u32 s4, s6  }
0x5: {  	v1 =	vlaneseq.u32;
	s1 =	rddreg [dreg:$0x2];
	s4 =	ssub.s32 $0x2, s4;
	s7 =	smul.u32 $0x180, s6  }
0x6: {  	[smem:$0x7FF] =	sst s2;
	v0 =	vmul.u32 $0x3, v1;
	v1 =	vmul.u32 $0x5, v1;
	s8 =	sshrl.u32 s4, $0x1;
	s6 =	smul.u32 $0x280, s6  }
0x7: {  	_ =	strace $0x80000047;
	s8 =	ssub.s32 s4, s8;
	s7 =	sadd.s32 s7, s3  }
0x8: {  	v2 =	vadd.s32 $0x1, v0;
	v3 =	vadd.s32 $0x2, v0;
	v4 =	vadd.s32 $0x1, v1;
	s3 =	sadd.s32 $0x400, s3;
	s5 =	sadd.s32 s5, s6;
	s6 =	smax.u32 s8, $0x1  }
0x9: {  	v5 =	vadd.s32 $0x2, v1;
	v6 =	vadd.s32 $0x3, v1;
	v7 =	vadd.s32 $0x4, v1;
	s8 =	simm.s32 $0x2000;
	s4 =	sadd.s32 $0x600, s7;
	s7 =	simm.s32 $0x1  }
.LBB2_1:
0xa: {  	[tilespmem:s2], [sflag:$0x1] =	stream.linear.gather [hbm4b:s4+s2], $0xC00, $0x38;
	[tilespmem:$0x2180] =	vst v63  }
0xb: {  	_ =	swait.ge [sflag:s7], $0xC00  }
0xc: {  	[sflag:s7] =	ssyncset.done $0x0  }
0xd: {  	[sflag:s7] =	ssyncadd.s32 $0xFFFFF400  }
0xe: {  	[tilespmem:s8], [sflag:$0x1] =	stream.linear.gather [hbm4b:s3+s2], $0x180, $0x38;
	[tilespmem:$0x2180] =	vst v63  }
0xf: {  	_ =	swait.ge [sflag:s7], $0x180  }
0x10: {  	[sflag:s7] =	ssyncset.done $0x0  }
0x11: {  	[sflag:s7] =	ssyncadd.s32 $0xFFFFFE80  }
0x12: {  	v8 =	vld [tilespmem:$0x2000]  }
0x13: {  	v9 =	vld [tilespmem:$0x2010]  }
0x14: {  	v10 =	vld [tilespmem:$0x2020]  }
0x15: {  	v11 =	vld [tilespmem:$0x2030]  }
0x16: {  	v12 =	vld [tilespmem:$0x2040]  }
0x17: {  	v13 =	vld [tilespmem:$0x2050]  }
0x18: {  	v14 =	vld [tilespmem:$0x2060]  }
0x19: {  	v15 =	vld [tilespmem:$0x2070]  }
0x1a: {  	v16 =	vld [tilespmem:$0x2080]  }
0x1b: {  	v17 =	vld [tilespmem:$0x2090]  }
0x1c: {  	v18 =	vld [tilespmem:$0x20A0]  }
0x1d: {  	v19 =	vld [tilespmem:$0x20B0]  }
0x1e: {  	v20 =	vld [tilespmem:$0x20C0]  }
0x1f: {  	v21 =	vld [tilespmem:$0x20D0]  }
0x20: {  	v22 =	vld [tilespmem:$0x20E0]  }
0x21: {  	v23 =	vld [tilespmem:$0x20F0]  }
0x22: {  	v24 =	vld [tilespmem:$0x2100]  }
0x23: {  	v25 =	vld [tilespmem:$0x2110]  }
0x24: {  	v26 =	vld [tilespmem:$0x2120]  }
0x25: {  	s11 =	simm.s32 $0xFFFFFFFC;
	s12 =	simm.s32 $0x90;
	s13 =	simm.s32 $0xF0;
	v27 =	vld [tilespmem:$0x2130]  }
.LBB2_2:
0x26: {  	s14 =	sadd.s32 $0xFFFFFF70, s12  }
0x27: {  	v28 =	vor.u32 s14, v0  }
0x28: {  	v29 =	vor.u32 s14, v2  }
0x29: {  	v30 =	vor.u32 s14, v3;
	_ =	sdelay $0x2  }
0x2a: {  	v28 =	vld.idx.msk [tilespmem:v28+s2+$0x0], $0xffff  }
0x2b: {  	v29 =	vld.idx.msk [tilespmem:v29+s2+$0x0], $0xffff  }
0x2c: {  	v30 =	vld.idx.msk [tilespmem:v30+s2+$0x0], $0xffff;
	_ =	sdelay $0x1  }
0x2d: {  	s26 =	sadd.s32 $0xFFFFFF10, s13  }
0x2e: {  	v36 =	vadd.s32 s26, v1  }
0x2f: {  	v60 =	vadd.s32 s26, v4;
	v38 =	vadd.s32 s26, v5;
	v31 =	vmul.f32 v28, v8  }
0x30: {  	v39 =	vadd.s32 s26, v6;
	v32 =	vmul.f32 v29, v9;
	v56 =	vmul.f32 v30, v10  }
0x31: {  	v41 =	vadd.s32 s26, v7;
	v33 =	vmul.f32 v28, v11;
	v57 =	vmul.f32 v28, v14  }
0x32: {  	vm0 =	veq.f32 v28, $1.000000000e+00;
	v34 =	vmul.f32 v29, v12;
	v35 =	vmul.f32 v29, v15  }
0x33: {  	vm1 =	veq.f32 v29, $0.0e+00;
	v37 =	vmul.f32 v28, v17;
	v28 =	vmul.f32 v28, v20  }
0x34: {  	v62 =	vmul.f32 v29, v18;
	v31 =	vadd.f32 v31, v23;
	v33 =	vadd.f32 v33, v24  }
0x35: {  	v29 =	vmul.f32 v29, v21;
	v61 =	vadd.f32 v37, v26;
	v28 =	vadd.f32 v28, v27  }
0x36: {  	v58 =	vmul.f32 v30, v13;
	v31 =	vadd.f32 v32, v31;
	v32 =	vadd.f32 v57, v25  }
0x37: {  	v59 =	vmul.f32 v30, v16;
	v33 =	vadd.f32 v34, v33;
	v28 =	vadd.f32 v29, v28  }
0x38: {  	v63 =	vmul.f32 v30, v19;
	v31 =	vadd.f32 v56, v31;
	v32 =	vadd.f32 v35, v32  }
0x39: {  	vm0 =	vmand vm0, vm1;
	v33 =	vadd.f32 v58, v33;
	v35 =	vadd.f32 v62, v61  }
0x3a: {  	s28 =	sadd.s32 $0xFFFFFFA0, s12;
	v29 =	vmul.f32 v30, v22;
	v31 =	vnsel vm0, $0x0, v31;
	v32 =	vadd.f32 v59, v32  }
0x3b: {  	v44 =	vadd.s32 s28, v0;
	v42 =	vnsel vm0, $0x0, v33;
	v43 =	vadd.f32 v63, v35;
	[tilespmem:v36+s9+$0x0] =	vst.idx.msk $0xffff, v31  }
0x3c: {  	v46 =	vadd.s32 s28, v2;
	v28 =	vadd.f32 v29, v28;
	[tilespmem:v60+s9+$0x0] =	vst.idx.msk $0xffff, v42;
	v45 =	vnsel vm0, $0x0, v32  }
0x3d: {  	v29 =	vnsel vm0, $0x0, v43;
	[tilespmem:v38+s9+$0x0] =	vst.idx.msk $0xffff, v45  }
0x3e: {  	v28 =	vnsel vm0, $0x0, v28;
	[tilespmem:v39+s9+$0x0] =	vst.idx.msk $0xffff, v29  }
0x3f: {  	[tilespmem:v41+s9+$0x0] =	vst.idx.msk $0xffff, v28  }
0x40: {  	v29 =	vld.idx.msk [tilespmem:v44+s2+$0x0], $0xffff  }
0x41: {  	v30 =	vld.idx.msk [tilespmem:v46+s2+$0x0], $0xffff  }
0x42: {  	v28 =	vadd.s32 s28, v3  }
0x43: {  	s29 =	sadd.s32 $0xFFFFFF60, s13  }
0x44: {  	v54 =	vadd.s32 s29, v1  }
0x45: {  	v40 =	vadd.s32 s29, v7;
	v58 =	vadd.s32 s29, v4;
	v47 =	vmul.f32 v29, v8  }
0x46: {  	v61 =	vadd.s32 s29, v5;
	v48 =	vmul.f32 v30, v9;
	v50 =	vmul.f32 v29, v11  }
0x47: {  	v63 =	vadd.s32 s29, v6;
	v28 =	vld.idx.msk [tilespmem:v28+s2+$0x0], $0xffff;
	v51 =	vmul.f32 v29, v14;
	v52 =	vmul.f32 v30, v12  }
0x48: {  	vm10 =	veq.f32 v29, $1.000000000e+00;
	v53 =	vmul.f32 v30, v15;
	v57 =	vmul.f32 v29, v17  }
0x49: {  	vm11 =	veq.f32 v30, $0.0e+00;
	v29 =	vmul.f32 v29, v20;
	v60 =	vmul.f32 v30, v18  }
0x4a: {  	v30 =	vmul.f32 v30, v21;
	v31 =	vadd.f32 v47, v23;
	v33 =	vadd.f32 v50, v24  }
0x4b: {  	vm0 =	vmand vm10, vm11;
	v32 =	vadd.f32 v51, v25;
	v59 =	vadd.f32 v57, v26  }
0x4c: {  	v29 =	vadd.f32 v29, v27;
	v31 =	vadd.f32 v48, v31;
	v49 =	vmul.f32 v28, v10  }
0x4d: {  	v33 =	vadd.f32 v52, v33;
	v55 =	vmul.f32 v28, v13;
	v32 =	vadd.f32 v53, v32  }
0x4e: {  	v56 =	vmul.f32 v28, v16;
	v35 =	vadd.f32 v60, v59;
	v31 =	vadd.f32 v49, v31  }
0x4f: {  	v62 =	vmul.f32 v28, v19;
	v29 =	vadd.f32 v30, v29;
	v33 =	vadd.f32 v55, v33  }
0x50: {  	s30 =	sadd.s32 $0xFFFFFFD0, s12;
	v28 =	vmul.f32 v28, v22;
	v32 =	vadd.f32 v56, v32;
	v31 =	vnsel vm0, $0x0, v31  }
0x51: {  	v43 =	vadd.s32 s30, v0;
	v42 =	vadd.f32 v62, v35;
	v41 =	vnsel vm0, $0x0, v33;
	[tilespmem:v54+s9+$0x0] =	vst.idx.msk $0xffff, v31  }
0x52: {  	v45 =	vadd.s32 s30, v2;
	v28 =	vadd.f32 v28, v29;
	v44 =	vnsel vm0, $0x0, v32;
	[tilespmem:v58+s9+$0x0] =	vst.idx.msk $0xffff, v41  }
0x53: {  	v29 =	vnsel vm0, $0x0, v42;
	[tilespmem:v61+s9+$0x0] =	vst.idx.msk $0xffff, v44  }
0x54: {  	v28 =	vnsel vm0, $0x0, v28;
	[tilespmem:v63+s9+$0x0] =	vst.idx.msk $0xffff, v29  }
0x55: {  	[tilespmem:v40+s9+$0x0] =	vst.idx.msk $0xffff, v28  }
0x56: {  	v29 =	vld.idx.msk [tilespmem:v43+s2+$0x0], $0xffff  }
0x57: {  	v30 =	vld.idx.msk [tilespmem:v45+s2+$0x0], $0xffff  }
0x58: {  	v28 =	vadd.s32 s30, v3  }
0x59: {  	s31 =	sadd.s32 $0xFFFFFFB0, s13  }
0x5a: {  	v57 =	vadd.s32 s31, v4  }
0x5b: {  	v53 =	vadd.s32 s31, v1;
	v60 =	vadd.s32 s31, v5;
	v46 =	vmul.f32 v29, v8  }
0x5c: {  	v62 =	vadd.s32 s31, v6;
	v47 =	vmul.f32 v30, v9;
	v49 =	vmul.f32 v29, v11  }
0x5d: {  	v63 =	vadd.s32 s31, v7;
	v28 =	vld.idx.msk [tilespmem:v28+s2+$0x0], $0xffff;
	v50 =	vmul.f32 v29, v14;
	v51 =	vmul.f32 v30, v12  }
0x5e: {  	vm12 =	veq.f32 v29, $1.000000000e+00;
	v52 =	vmul.f32 v30, v15;
	v56 =	vmul.f32 v29, v17  }
0x5f: {  	vm13 =	veq.f32 v30, $0.0e+00;
	v29 =	vmul.f32 v29, v20;
	v59 =	vmul.f32 v30, v18  }
0x60: {  	v30 =	vmul.f32 v30, v21;
	v31 =	vadd.f32 v46, v23;
	v33 =	vadd.f32 v49, v24  }
0x61: {  	vm0 =	vmand vm12, vm13;
	v32 =	vadd.f32 v50, v25;
	v58 =	vadd.f32 v56, v26  }
0x62: {  	v29 =	vadd.f32 v29, v27;
	v31 =	vadd.f32 v47, v31;
	v48 =	vmul.f32 v28, v10  }
0x63: {  	v33 =	vadd.f32 v51, v33;
	v54 =	vmul.f32 v28, v13;
	v32 =	vadd.f32 v52, v32  }
0x64: {  	v55 =	vmul.f32 v28, v16;
	v35 =	vadd.f32 v59, v58;
	v31 =	vadd.f32 v48, v31  }
0x65: {  	v61 =	vmul.f32 v28, v19;
	v29 =	vadd.f32 v30, v29;
	v33 =	vadd.f32 v54, v33  }
0x66: {  	v28 =	vmul.f32 v28, v22;
	v32 =	vadd.f32 v55, v32;
	v31 =	vnsel vm0, $0x0, v31  }
0x67: {  	v42 =	vadd.s32 s12, v0;
	v41 =	vadd.f32 v61, v35;
	v40 =	vnsel vm0, $0x0, v33;
	[tilespmem:v53+s9+$0x0] =	vst.idx.msk $0xffff, v31  }
0x68: {  	v44 =	vadd.s32 s12, v2;
	v28 =	vadd.f32 v28, v29;
	v43 =	vnsel vm0, $0x0, v32;
	[tilespmem:v57+s9+$0x0] =	vst.idx.msk $0xffff, v40  }
0x69: {  	v29 =	vnsel vm0, $0x0, v41;
	[tilespmem:v60+s9+$0x0] =	vst.idx.msk $0xffff, v43  }
0x6a: {  	v28 =	vnsel vm0, $0x0, v28;
	[tilespmem:v62+s9+$0x0] =	vst.idx.msk $0xffff, v29  }
0x6b: {  	[tilespmem:v63+s9+$0x0] =	vst.idx.msk $0xffff, v28  }
0x6c: {  	v29 =	vld.idx.msk [tilespmem:v42+s2+$0x0], $0xffff  }
0x6d: {  	v30 =	vld.idx.msk [tilespmem:v44+s2+$0x0], $0xffff  }
0x6e: {  	v28 =	vadd.s32 s12, v3;
	_ =	sdelay $0x1  }
0x6f: {  	v56 =	vadd.s32 s13, v4  }
0x70: {  	v52 =	vadd.s32 s13, v1;
	v59 =	vadd.s32 s13, v5;
	v45 =	vmul.f32 v29, v8  }
0x71: {  	v61 =	vadd.s32 s13, v6;
	v46 =	vmul.f32 v30, v9;
	v48 =	vmul.f32 v29, v11  }
0x72: {  	v62 =	vadd.s32 s13, v7;
	v28 =	vld.idx.msk [tilespmem:v28+s2+$0x0], $0xffff;
	v49 =	vmul.f32 v29, v14;
	v50 =	vmul.f32 v30, v12  }
0x73: {  	vm14 =	veq.f32 v29, $1.000000000e+00;
	v51 =	vmul.f32 v30, v15;
	v55 =	vmul.f32 v29, v17  }
0x74: {  	vm15 =	veq.f32 v30, $0.0e+00;
	v29 =	vmul.f32 v29, v20;
	v58 =	vmul.f32 v30, v18  }
0x75: {  	v30 =	vmul.f32 v30, v21;
	v31 =	vadd.f32 v45, v23;
	v33 =	vadd.f32 v48, v24  }
0x76: {  	vm0 =	vmand vm14, vm15;
	v32 =	vadd.f32 v49, v25;
	v57 =	vadd.f32 v55, v26  }
0x77: {  	v29 =	vadd.f32 v29, v27;
	v31 =	vadd.f32 v46, v31;
	v47 =	vmul.f32 v28, v10  }
0x78: {  	v33 =	vadd.f32 v50, v33;
	v53 =	vmul.f32 v28, v13;
	v32 =	vadd.f32 v51, v32  }
0x79: {  	v54 =	vmul.f32 v28, v16;
	v35 =	vadd.f32 v58, v57;
	v31 =	vadd.f32 v47, v31  }
0x7a: {  	s11 =	sadd.s32 $0x4, s11;
	v60 =	vmul.f32 v28, v19;
	v29 =	vadd.f32 v30, v29;
	v33 =	vadd.f32 v53, v33  }
0x7b: {  	p0 =	slt.u32 s11, $0x3C;
	v28 =	vmul.f32 v28, v22;
	v32 =	vadd.f32 v54, v32;
	v31 =	vnsel vm0, $0x0, v31  }
.Ltmp0:
0x7c: {  	v63 =	vadd.f32 v60, v35;
	v33 =	vnsel vm0, $0x0, v33;
	[tilespmem:v52+s9+$0x0] =	vst.idx.msk $0xffff, v31;
	(pc) =	sbr.rel @p0 .LBB2_2-.Ltmp0, $4  }
0x7d: {  	v28 =	vadd.f32 v28, v29;
	v29 =	vnsel vm0, $0x0, v32;
	[tilespmem:v56+s9+$0x0] =	vst.idx.msk $0xffff, v33  }
0x7e: {  	[tilespmem:v59+s9+$0x0] =	vst.idx.msk $0xffff, v29;
	v29 =	vnsel vm0, $0x0, v63  }
0x7f: {  	v28 =	vnsel vm0, $0x0, v28;
	[tilespmem:v61+s9+$0x0] =	vst.idx.msk $0xffff, v29  }
0x80: {  	s13 =	sadd.s32 $0x140, s13;
	s12 =	sadd.s32 $0xC0, s12;
	[tilespmem:v62+s9+$0x0] =	vst.idx.msk $0xffff, v28  }
0x81: {  	s10 =	sadd.s32 $0x1, s10  }
0x82: {  	p0 =	sne.s32 s10, s6  }
.Ltmp1:
0x83: {  	_ = 	snop;
	(pc) =	sbr.rel @p0 .LBB2_1-.Ltmp1, $4  }
0x84: {  	[hbm4b:s5+s2] =	stream.linear.scatter [tilespmem:s9], [sflag:$0x1], $0x1400, $0x38;
	[tilespmem:$0x2180] =	vst v63  }
0x85: {  	_ =	swait.ge [sflag:s7], $0x1400  }
0x86: {  	[sflag:s7] =	ssyncset.done $0x0  }
0x87: {  	[sflag:s7] =	ssyncadd.s32 $0xFFFFEC00  }
0x88: {  	_ =	sfence.sel $0x180000  }
0x89: {  	[bflag:$0x0] =	sbarrier.arrive $0xFFFF  }
0x8a: {  	p0 =	sne.s32 s0, $0x0;
	_ =	strace $0x90000047  }
0x8b: {  	s0 =	sadd.s32 @!p0 $0x100000, s1;
	[bflag:$0x2] =	sbarrier.arrive $0xFFFF  }
0x8c: {  	[sflag:s0] =	ssyncadd.tile.s32 @!p0 $0x1;
	_ =	shalt  }
.Lfunc_end2:
_tile_overlayer_lowered:
.L_overlay_start_2:
0x8d: {  	(tag) =	ssettag $0x2  }
0x8e: {  	s0 =	rddreg [dreg:$0x0];
	s2 =	stileid.u32  }
0x8f: {  	s1 =	rddreg [dreg:$0x1];
	p0 =	sne.s32 s2, $0x0  }
0x90: {  	s3 =	rddreg [dreg:$0x2];
	[bflag:$0x3] =	sbarrier.arrive $0xFFFF;
	s2 =	simm.s32 @!p0 $0x1C01  }
0x91: {  	[timem:s3], [sflag:s2] =	dma.local @!p0 [hbm:s0], s1  }
0x92: {  	s0 =	simm.s32 @!p0 $0x1  }
0x93: {  	_ =	swait.ge @!p0 [sflag:s0], s1  }
0x94: {  	s1 =	ssub.s32 @!p0 $0x0, s1;
	[sflag:s0] =	ssyncset.done @!p0 $0x0  }
0x95: {  	[sflag:s0] =	ssyncadd.s32 @!p0 s1  }
0x96: {  	[bflag:$0x3] =	sbarrier.arrive $0xFFFF  }
0x97: {  	_ =	shalt  }

</sc_bundles>
